<compile_context>
chip_gen: v7x
topology: tpu7x:2x2x1
jax: 0.10.2.dev20260603
libtpu: 0.0.44.dev20260713+nightly
codegen_flags: <defaults>
</compile_context>

<pallas_src>
import functools

import jax
import jax.numpy as jnp
from jax import lax
from jax.experimental import pallas as pl
from jax.experimental.pallas import tpu as pltpu
from jax.experimental.pallas import tpu_sc as plsc

_R_BLK = 128


def _sim_argmax_body(c_ref, wa_ref, wb_ref, idx_ref, val_ref):
    k = pl.program_id(0)
    B = c_ref.shape[0]
    G = wa_ref.shape[1]
    D = c_ref.shape[1]

    @pl.when(k == 0)
    def _init():
        val_ref[...] = jnp.full((B,), -jnp.inf, dtype=jnp.float32)
        idx_ref[...] = jnp.zeros((B,), dtype=jnp.int32)

    c = c_ref[...]
    rn = jnp.sqrt(jnp.sum(c * c, axis=1))
    cs = c / jnp.maximum(rn, 1e-12)[:, None]
    w2 = jnp.concatenate(
        [wa_ref[...].reshape(D // 2, G * _R_BLK),
         wb_ref[...].reshape(D // 2, G * _R_BLK)], axis=0)
    cn = jnp.sqrt(jnp.sum(w2 * w2, axis=0))
    wn = w2 / jnp.maximum(cn, 1e-12)[None, :]
    sim = jnp.dot(cs, wn, preferred_element_type=jnp.float32)
    lmax = jnp.max(sim, axis=1)
    j = jnp.argmax(sim, axis=1).astype(jnp.int32)
    lidx = (j // _R_BLK) * D + (j % _R_BLK) + k * _R_BLK
    better = lmax > val_ref[...]
    idx_ref[...] = jnp.where(better, lidx, idx_ref[...])
    val_ref[...] = jnp.where(better, lmax, val_ref[...])


def _sim_argmax(content, bc3):
    B, D = content.shape
    G = bc3.shape[1]
    return pl.pallas_call(
        _sim_argmax_body,
        grid=(D // _R_BLK,),
        in_specs=[
            pl.BlockSpec((B, D), lambda k: (0, 0)),
            pl.BlockSpec((D // 2, G, _R_BLK), lambda k: (0, 0, k)),
            pl.BlockSpec((D // 2, G, _R_BLK), lambda k: (1, 0, k)),
        ],
        out_specs=pl.BlockSpec((B,), lambda k: (0,)),
        out_shape=jax.ShapeDtypeStruct((B,), jnp.int32),
        scratch_shapes=[pltpu.VMEM((B,), jnp.float32)],
    )(content, bc3, bc3)


def _gather_rows_sc(table, idx):
    B = idx.shape[0]
    D = table.shape[1]
    n_workers = 16
    b_per_w = B // n_workers
    mesh = plsc.VectorSubcoreMesh(core_axis_name="c", subcore_axis_name="s")

    @functools.partial(
        pl.kernel,
        mesh=mesh,
        out_type=jax.ShapeDtypeStruct((B, D), jnp.float32),
        scratch_types=[
            pltpu.VMEM((b_per_w,), jnp.int32),
            pltpu.VMEM((b_per_w, D), jnp.float32),
            pltpu.SemaphoreType.DMA,
        ],
    )
    def k(table_hbm, idx_hbm, out_hbm, idx_v, rows_v, sem):
        wid = lax.axis_index("s") * 2 + lax.axis_index("c")

        @pl.when(wid < n_workers)
        def _():
            base = wid * b_per_w
            pltpu.sync_copy(idx_hbm.at[pl.ds(base, b_per_w)], idx_v)
            pltpu.async_copy(table_hbm.at[idx_v], rows_v, sem).wait()
            pltpu.sync_copy(rows_v, out_hbm.at[pl.ds(base, b_per_w)])

    return k(table, idx)


def kernel(content, bank_content, bank_style):
    B, D = content.shape
    M = bank_content.shape[0]
    G = M // D
    bc3 = bank_content.reshape(D, G, D)
    idx = _sim_argmax(content, bc3)
    return _gather_rows_sc(bank_style, idx)

# --- scband reference (transcript-rebuilt; emitter-appended) ---
"""Pipeline reference for scband-adaptive-style-memory-bank-27848567947833 (READ-ONLY COPY).

The authoritative reference and input builder live on the scoring server;
editing this copy changes nothing except your own understanding.
"""

import jax, jax.numpy as jnp
import numpy as np


def _normalize(x, axis, eps=1e-12):
    # faithful to torch.nn.functional.normalize (L2, clamp norm to eps)
    n = jnp.linalg.norm(x, ord=2, axis=axis, keepdims=True)
    return x / jnp.maximum(n, eps)


def setup_inputs(seed: int = 0) -> dict:
    key = jax.random.key(seed)
    k1, k2, k3 = jax.random.split(key, 3)
    B, D, M = 128, 2048, 16384
    content = jax.random.normal(k1, (B, D), dtype=jnp.float32)
    # memory-bank state for target=0, populated in torch via update()
    bank_content = jax.random.normal(k2, (M, D), dtype=jnp.float32)
    bank_style = jax.random.normal(k3, (M, D), dtype=jnp.float32)
    return {"content": content, "bank_content": bank_content, "bank_style": bank_style}


def reference(content, bank_content, bank_style):
    B = content.shape[0]
    M = bank_content.shape[0]
    # content_source = F.normalize(content.view(B, -1), dim=1)
    content_source = _normalize(content.reshape(B, -1), axis=1)
    # NOTE: torch code uses .view(-1, M) which is a RESHAPE (not transpose) of [M, D] -> [D, M]
    content_target = _normalize(bank_content.reshape(-1, M), axis=0)
    sim_mat = content_source @ content_target  # [B, M]
    idx = jnp.argmax(sim_mat, axis=1)          # [B]
    adaptive_style = jnp.take(bank_style, idx, axis=0)  # gather nearest-neighbor styles
    return adaptive_style

if __name__ == "__main__":
    import jax
    _d = setup_inputs()
    print(jax.jit(kernel)(*tuple(_d.values())))

</pallas_src>

<mosaic_0001>
#map = affine_map<(d0, d1) -> (0, 0)>
#map1 = affine_map<(d0, d1) -> (0)>
module attributes {stable_mosaic.version = 14 : i64} {
  func.func @k(%arg0: i32, %arg1: i32, %arg2: memref<16384x2048xf32, #tpu.memory_space<hbm>>, %arg3: memref<128xi32, #tpu.memory_space<hbm>>, %arg4: memref<128x2048xf32, #tpu.memory_space<hbm>>, %arg5: memref<8xi32, #tpu.memory_space<vmem>>, %arg6: memref<8x2048xf32, #tpu.memory_space<vmem>>, %arg7: memref<!tpu.dma_semaphore, #tpu.memory_space<semaphore_mem>>) attributes {dimension_semantics = [#tpu.dimension_semantics<core_parallel>, #tpu.dimension_semantics<subcore_parallel>], iteration_bounds = array<i64: 2, 16>, scalar_prefetch = 0 : i64, scratch_operands = 3 : i64, tpu.core_type = #tpu.core_type<sc_vector_subcore>, window_params = [{transform_indices = #map}, {transform_indices = #map1}, {transform_indices = #map}]} {
    %mul3A = arith.constant 2 : i32
    %mul3A_0 = arith.muli %arg1, %mul3A : i32
    %add3A = arith.addi %mul3A_0, %arg0 : i32
    %lt3A = arith.constant 16 : i32
    %lt3A_1 = arith.cmpi slt, %add3A, %lt3A : i32
    %convert_element_type3A = arith.extui %lt3A_1 : i1 to i32
    %cond3A = arith.constant 0 : i32
    %cond3A_2 = arith.cmpi ne, %convert_element_type3A, %cond3A : i32
    scf.if %cond3A_2 {
      %mul3A_3 = arith.constant 8 : i32
      %mul3A_4 = arith.muli %add3A, %mul3A_3 : i32
      "tpu.region"() ({
        %run_scoped3A = tpu.sem_alloc : memref<!tpu.dma_semaphore, #tpu.memory_space<semaphore_mem>>
        %dma_start3A_9 = tpu.memref_slice %arg3[%mul3A_4] : memref<128xi32, #tpu.memory_space<hbm>> -> memref<8xi32, #tpu.memory_space<hbm>>
        %dma_start3A_10 = tpu.memref_slice %arg3[%mul3A_4] : memref<128xi32, #tpu.memory_space<hbm>> -> memref<8xi32, #tpu.memory_space<hbm>>
        tpu.enqueue_dma source(%dma_start3A_10 : memref<8xi32, #tpu.memory_space<hbm>>) target(%arg5 : memref<8xi32, #tpu.memory_space<vmem>>) target_semaphore(%run_scoped3A : memref<!tpu.dma_semaphore, #tpu.memory_space<semaphore_mem>>)
        %dma_wait3A_11 = tpu.memref_slice %arg3[%mul3A_4] : memref<128xi32, #tpu.memory_space<hbm>> -> memref<8xi32, #tpu.memory_space<hbm>>
        %dma_wait3A_12 = tpu.memref_slice %arg3[%mul3A_4] : memref<128xi32, #tpu.memory_space<hbm>> -> memref<8xi32, #tpu.memory_space<hbm>>
        tpu.wait_dma2 semaphore(%run_scoped3A : memref<!tpu.dma_semaphore, #tpu.memory_space<semaphore_mem>>) src(%dma_wait3A_12 : memref<8xi32, #tpu.memory_space<hbm>>) dst(%arg5 : memref<8xi32, #tpu.memory_space<vmem>>)
        tpu.yield
      }) : () -> ()
      %dma_start3A = arith.constant 0 : i32
      %dma_start3A_5 = arith.constant 0 : i32
      %dma_start3A_6 = tpu.memref_slice %arg2[%dma_start3A, %dma_start3A_5] : memref<16384x2048xf32, #tpu.memory_space<hbm>> -> memref<16384x2048xf32, #tpu.memory_space<hbm>>
      tpu.enqueue_indirect_dma source(%dma_start3A_6 : memref<16384x2048xf32, #tpu.memory_space<hbm>>) target(%arg6 : memref<8x2048xf32, #tpu.memory_space<vmem>>) offsets(%arg5 : memref<8xi32, #tpu.memory_space<vmem>>) semaphore(%arg7 : memref<!tpu.dma_semaphore, #tpu.memory_space<semaphore_mem>>)
      %dma_wait3A = arith.constant 0 : i32
      %dma_wait3A_7 = arith.constant 0 : i32
      %dma_wait3A_8 = tpu.memref_slice %arg2[%dma_wait3A, %dma_wait3A_7] : memref<16384x2048xf32, #tpu.memory_space<hbm>> -> memref<16384x2048xf32, #tpu.memory_space<hbm>>
      tpu.wait_indirect_dma semaphore(%arg7 : memref<!tpu.dma_semaphore, #tpu.memory_space<semaphore_mem>>) src(%dma_wait3A_8 : memref<16384x2048xf32, #tpu.memory_space<hbm>>) dst(%arg6 : memref<8x2048xf32, #tpu.memory_space<vmem>>)
      "tpu.region"() ({
        %run_scoped3A = tpu.sem_alloc : memref<!tpu.dma_semaphore, #tpu.memory_space<semaphore_mem>>
        %dma_start3A_9 = arith.constant 0 : i32
        %dma_start3A_10 = tpu.memref_slice %arg4[%mul3A_4, %dma_start3A_9] : memref<128x2048xf32, #tpu.memory_space<hbm>> -> memref<8x2048xf32, #tpu.memory_space<hbm>>
        %dma_start3A_11 = arith.constant 0 : i32
        %dma_start3A_12 = tpu.memref_slice %arg4[%mul3A_4, %dma_start3A_11] : memref<128x2048xf32, #tpu.memory_space<hbm>> -> memref<8x2048xf32, #tpu.memory_space<hbm>>
        tpu.enqueue_dma source(%arg6 : memref<8x2048xf32, #tpu.memory_space<vmem>>) target(%dma_start3A_12 : memref<8x2048xf32, #tpu.memory_space<hbm>>) target_semaphore(%run_scoped3A : memref<!tpu.dma_semaphore, #tpu.memory_space<semaphore_mem>>)
        %dma_wait3A_13 = arith.constant 0 : i32
        %dma_wait3A_14 = tpu.memref_slice %arg4[%mul3A_4, %dma_wait3A_13] : memref<128x2048xf32, #tpu.memory_space<hbm>> -> memref<8x2048xf32, #tpu.memory_space<hbm>>
        %dma_wait3A_15 = arith.constant 0 : i32
        %dma_wait3A_16 = tpu.memref_slice %arg4[%mul3A_4, %dma_wait3A_15] : memref<128x2048xf32, #tpu.memory_space<hbm>> -> memref<8x2048xf32, #tpu.memory_space<hbm>>
        tpu.wait_dma2 semaphore(%run_scoped3A : memref<!tpu.dma_semaphore, #tpu.memory_space<semaphore_mem>>) src(%arg6 : memref<8x2048xf32, #tpu.memory_space<vmem>>) dst(%dma_wait3A_16 : memref<8x2048xf32, #tpu.memory_space<hbm>>)
        tpu.yield
      }) : () -> ()
    } else {
    }
    return
  }
}

module attributes {stable_mosaic.version = 14 : i64} {
  func.func @_sim_argmax_body(%arg0: i32, %arg1: memref<128x2048xf32, #tpu.memory_space<vmem>>, %arg2: memref<1024x8x128xf32, #tpu.memory_space<vmem>>, %arg3: memref<1024x8x128xf32, #tpu.memory_space<vmem>>, %arg4: memref<128xi32, #tpu.memory_space<vmem>>, %arg5: memref<128xf32, #tpu.memory_space<vmem>>) attributes {dimension_semantics = [#tpu.dimension_semantics<arbitrary>], iteration_bounds = array<i64: 16>, scalar_prefetch = 0 : i64, scratch_operands = 1 : i64, tpu.core_type = #tpu.core_type<tc>, window_params = [{pipeline_mode = #tpu.pipeline_mode<synchronous>, transform_indices = @transform_0, window_bounds = array<i64: 128, 2048>}, {transform_indices = @transform_1, window_bounds = array<i64: 1024, 8, 128>}, {transform_indices = @transform_2, window_bounds = array<i64: 1024, 8, 128>}, {pipeline_mode = #tpu.pipeline_mode<synchronous>, transform_indices = @transform_3, window_bounds = array<i64: 128>}]} {
    %eq3A = arith.constant 0 : i32
    %eq3A_0 = arith.cmpi eq, %arg0, %eq3A : i32
    %convert_element_type3A = arith.extui %eq3A_0 : i1 to i32
    %cond3A = arith.constant 0 : i32
    %cond3A_1 = arith.cmpi ne, %convert_element_type3A, %cond3A : i32
    scf.if %cond3A_1 {
      %broadcast_in_dim3A_92 = arith.constant 0xFF800000 : f32
      %broadcast_in_dim3A_93 = vector.broadcast %broadcast_in_dim3A_92 : f32 to vector<128xf32>
      %swap3A_94 = arith.constant 0 : index
      %swap3A_95 = vector.load %arg5[%swap3A_94] : memref<128xf32, #tpu.memory_space<vmem>>, vector<128xf32>
      tpu.vector_store %arg5[%swap3A_94], %broadcast_in_dim3A_93 {strides = array<i32>} : memref<128xf32, #tpu.memory_space<vmem>>, vector<128xf32>,
      %broadcast_in_dim3A_96 = arith.constant 0 : i32
      %broadcast_in_dim3A_97 = vector.broadcast %broadcast_in_dim3A_96 : i32 to vector<128xi32>
      %swap3A_98 = arith.constant 0 : index
      %swap3A_99 = vector.load %arg4[%swap3A_98] : memref<128xi32, #tpu.memory_space<vmem>>, vector<128xi32>
      tpu.vector_store %arg4[%swap3A_98], %broadcast_in_dim3A_97 {strides = array<i32>} : memref<128xi32, #tpu.memory_space<vmem>>, vector<128xi32>,
    } else {
    }
    %get3A = arith.constant 0 : index
    %get3A_2 = arith.constant 0 : index
    %get3A_3 = vector.load %arg1[%get3A, %get3A_2] : memref<128x2048xf32, #tpu.memory_space<vmem>>, vector<128x2048xf32>
    %mul3A = arith.mulf %get3A_3, %get3A_3 : vector<128x2048xf32>
    %reduce_sum3A = arith.constant dense<0.000000e+00> : vector<128xf32>
    %reduce_sum3A_4 = vector.multi_reduction <add>, %mul3A, %reduce_sum3A [1] : vector<128x2048xf32> to vector<128xf32>
    %sqrt3A = math.sqrt %reduce_sum3A_4 : vector<128xf32>
    %max3A = arith.constant 9.99999996E-13 : f32
    %max3A_5 = vector.broadcast %max3A : f32 to vector<128xf32>
    %max3A_6 = arith.maximumf %sqrt3A, %max3A_5 : vector<128xf32>
    %broadcast_in_dim3A = vector.shape_cast %max3A_6 : vector<128xf32> to vector<128x1xf32>
    %div3A = vector.broadcast %broadcast_in_dim3A : vector<128x1xf32> to vector<128x2048xf32>
    %div3A_7 = arith.divf %get3A_3, %div3A : vector<128x2048xf32>
    %get3A_8 = arith.constant 0 : index
    %get3A_9 = arith.constant 0 : index
    %get3A_10 = arith.constant 0 : index
    %get3A_11 = vector.load %arg2[%get3A_8, %get3A_9, %get3A_10] : memref<1024x8x128xf32, #tpu.memory_space<vmem>>, vector<1024x8x128xf32>
    %reshape3A = vector.shape_cast %get3A_11 : vector<1024x8x128xf32> to vector<1024x1024xf32>
    %get3A_12 = arith.constant 0 : index
    %get3A_13 = arith.constant 0 : index
    %get3A_14 = arith.constant 0 : index
    %get3A_15 = vector.load %arg3[%get3A_12, %get3A_13, %get3A_14] : memref<1024x8x128xf32, #tpu.memory_space<vmem>>, vector<1024x8x128xf32>
    %reshape3A_16 = vector.shape_cast %get3A_15 : vector<1024x8x128xf32> to vector<1024x1024xf32>
    %concatenate3A = tpu.concatenate %reshape3A, %reshape3A_16 in 0 : vector<1024x1024xf32>, vector<1024x1024xf32> -> vector<2048x1024xf32>
    %mul3A_17 = arith.mulf %concatenate3A, %concatenate3A : vector<2048x1024xf32>
    %reduce_sum3A_18 = arith.constant dense<0.000000e+00> : vector<1024xf32>
    %reduce_sum3A_19 = vector.multi_reduction <add>, %mul3A_17, %reduce_sum3A_18 [0] : vector<2048x1024xf32> to vector<1024xf32>
    %sqrt3A_20 = math.sqrt %reduce_sum3A_19 : vector<1024xf32>
    %max3A_21 = arith.constant 9.99999996E-13 : f32
    %max3A_22 = vector.broadcast %max3A_21 : f32 to vector<1024xf32>
    %max3A_23 = arith.maximumf %sqrt3A_20, %max3A_22 : vector<1024xf32>
    %broadcast_in_dim3A_24 = vector.shape_cast %max3A_23 : vector<1024xf32> to vector<1x1024xf32>
    %div3A_25 = vector.broadcast %broadcast_in_dim3A_24 : vector<1x1024xf32> to vector<2048x1024xf32>
    %div3A_26 = arith.divf %concatenate3A, %div3A_25 : vector<2048x1024xf32>
    %dot_general3A = arith.constant dense<0.000000e+00> : vector<128x1024xf32>
    %dot_general3A_27 = tpu.matmul %div3A_7, %div3A_26, %dot_general3A {dimension_numbers = #tpu.dot_dimension_numbers<[1], [0], [0], [1], [0, 0, 1, 1], [], []>, transpose_lhs_hint = false} : vector<128x2048xf32>, vector<2048x1024xf32>, vector<128x1024xf32> -> vector<128x1024xf32>
    %reduce_max3A = arith.constant dense<0xFF800000> : vector<128xf32>
    %reduce_max3A_28 = vector.multi_reduction <maximumf>, %dot_general3A_27, %reduce_max3A [1] : vector<128x1024xf32> to vector<128xf32>
    %argmax3A = tpu.reduce_index %dot_general3A_27 {axis = 1 : i32, kind = #tpu.reduction_kind<arg_max>} : vector<128x1024xf32> -> vector<128xi32>
    %jit3A = arith.constant 128 : i32
    %div3A_29 = vector.broadcast %jit3A : i32 to vector<128xi32>
    %div3A_30 = arith.divsi %argmax3A, %div3A_29 : vector<128xi32>
    %sign3A = arith.constant 0 : i32
    %sign3A_31 = vector.broadcast %sign3A : i32 to vector<128xi32>
    %sign3A_32 = arith.cmpi sgt, %argmax3A, %sign3A_31 : vector<128xi32>
    %sign3A_33 = arith.extui %sign3A_32 : vector<128xi1> to vector<128xi32>
    %sign3A_34 = arith.constant 0 : i32
    %sign3A_35 = vector.broadcast %sign3A_34 : i32 to vector<128xi32>
    %sign3A_36 = arith.cmpi slt, %argmax3A, %sign3A_35 : vector<128xi32>
    %sign3A_37 = arith.extui %sign3A_36 : vector<128xi1> to vector<128xi32>
    %sign3A_38 = arith.subi %sign3A_33, %sign3A_37 : vector<128xi32>
    %sign3A_39 = arith.constant 0 : i32
    %sign3A_40 = arith.cmpi sgt, %jit3A, %sign3A_39 : i32
    %sign3A_41 = arith.extui %sign3A_40 : i1 to i32
    %sign3A_42 = arith.constant 0 : i32
    %sign3A_43 = arith.cmpi slt, %jit3A, %sign3A_42 : i32
    %sign3A_44 = arith.extui %sign3A_43 : i1 to i32
    %sign3A_45 = arith.subi %sign3A_41, %sign3A_44 : i32
    %ne3A = vector.broadcast %sign3A_45 : i32 to vector<128xi32>
    %ne3A_46 = arith.cmpi ne, %sign3A_38, %ne3A : vector<128xi32>
    %rem3A = vector.broadcast %jit3A : i32 to vector<128xi32>
    %rem3A_47 = arith.remsi %argmax3A, %rem3A : vector<128xi32>
    %ne3A_48 = arith.constant 0 : i32
    %ne3A_49 = vector.broadcast %ne3A_48 : i32 to vector<128xi32>
    %ne3A_50 = arith.cmpi ne, %rem3A_47, %ne3A_49 : vector<128xi32>
    %and3A = arith.andi %ne3A_46, %ne3A_50 : vector<128xi1>
    %sub3A = arith.constant 1 : i32
    %sub3A_51 = vector.broadcast %sub3A : i32 to vector<128xi32>
    %sub3A_52 = arith.subi %div3A_30, %sub3A_51 : vector<128xi32>
    %select_n3A = arith.select %and3A, %sub3A_52, %div3A_30 : vector<128xi1>, vector<128xi32>
    %mul3A_53 = arith.constant 2048 : i32
    %mul3A_54 = vector.broadcast %mul3A_53 : i32 to vector<128xi32>
    %mul3A_55 = arith.muli %select_n3A, %mul3A_54 : vector<128xi32>
    %jit3A_56 = arith.constant 128 : i32
    %eq3A_57 = arith.constant 0 : i32
    %eq3A_58 = arith.cmpi eq, %jit3A_56, %eq3A_57 : i32
    %jit3A_59 = arith.constant 1 : i32
    %select_n3A_60 = arith.select %eq3A_58, %jit3A_59, %jit3A_56 : i32
    %rem3A_61 = vector.broadcast %select_n3A_60 : i32 to vector<128xi32>
    %rem3A_62 = arith.remsi %argmax3A, %rem3A_61 : vector<128xi32>
    %ne3A_63 = arith.constant 0 : i32
    %ne3A_64 = vector.broadcast %ne3A_63 : i32 to vector<128xi32>
    %ne3A_65 = arith.cmpi ne, %rem3A_62, %ne3A_64 : vector<128xi32>
    %lt3A = arith.constant 0 : i32
    %lt3A_66 = vector.broadcast %lt3A : i32 to vector<128xi32>
    %lt3A_67 = arith.cmpi slt, %rem3A_62, %lt3A_66 : vector<128xi32>
    %lt3A_68 = arith.constant 0 : i32
    %lt3A_69 = arith.cmpi slt, %select_n3A_60, %lt3A_68 : i32
    %ne3A_70 = vector.broadcast %lt3A_69 : i1 to vector<128xi1>
    %ne3A_71 = vector.broadcast %ne3A_70 : vector<128xi1> to vector<128xi1>
    %ne3A_72 = arith.xori %lt3A_67, %ne3A_71 : vector<128xi1>
    %and3A_73 = arith.andi %ne3A_72, %ne3A_65 : vector<128xi1>
    %add3A = vector.broadcast %select_n3A_60 : i32 to vector<128xi32>
    %add3A_74 = arith.addi %rem3A_62, %add3A : vector<128xi32>
    %select_n3A_75 = arith.select %and3A_73, %add3A_74, %rem3A_62 : vector<128xi1>, vector<128xi32>
    %add3A_76 = arith.addi %mul3A_55, %select_n3A_75 : vector<128xi32>
    %mul3A_77 = arith.constant 128 : i32
    %mul3A_78 = arith.muli %arg0, %mul3A_77 : i32
    %add3A_79 = vector.broadcast %mul3A_78 : i32 to vector<128xi32>
    %add3A_80 = arith.addi %add3A_76, %add3A_79 : vector<128xi32>
    %get3A_81 = arith.constant 0 : index
    %get3A_82 = vector.load %arg5[%get3A_81] : memref<128xf32, #tpu.memory_space<vmem>>, vector<128xf32>
    %gt3A = arith.cmpf ogt, %reduce_max3A_28, %get3A_82 : vector<128xf32>
    %get3A_83 = arith.constant 0 : index
    %get3A_84 = vector.load %arg4[%get3A_83] : memref<128xi32, #tpu.memory_space<vmem>>, vector<128xi32>
    %select_n3A_85 = arith.select %gt3A, %add3A_80, %get3A_84 : vector<128xi1>, vector<128xi32>
    %swap3A = arith.constant 0 : index
    %swap3A_86 = vector.load %arg4[%swap3A] : memref<128xi32, #tpu.memory_space<vmem>>, vector<128xi32>
    tpu.vector_store %arg4[%swap3A], %select_n3A_85 {strides = array<i32>} : memref<128xi32, #tpu.memory_space<vmem>>, vector<128xi32>,
    %get3A_87 = arith.constant 0 : index
    %get3A_88 = vector.load %arg5[%get3A_87] : memref<128xf32, #tpu.memory_space<vmem>>, vector<128xf32>
    %select_n3A_89 = arith.select %gt3A, %reduce_max3A_28, %get3A_88 : vector<128xi1>, vector<128xf32>
    %swap3A_90 = arith.constant 0 : index
    %swap3A_91 = vector.load %arg5[%swap3A_90] : memref<128xf32, #tpu.memory_space<vmem>>, vector<128xf32>
    tpu.vector_store %arg5[%swap3A_90], %select_n3A_89 {strides = array<i32>} : memref<128xf32, #tpu.memory_space<vmem>>, vector<128xf32>,
    return
  }
  func.func @transform_0(%arg0: i32) -> (i32, i32) {
    %c0_i32 = arith.constant 0 : i32
    %c0_i32_0 = arith.constant 0 : i32
    %c0_i32_1 = arith.constant 0 : i32
    return %c0_i32, %c0_i32_0 : i32, i32
  }
  func.func @transform_1(%arg0: i32) -> (i32, i32, i32) {
    %c0_i32 = arith.constant 0 : i32
    %c0_i32_0 = arith.constant 0 : i32
    %c0_i32_1 = arith.constant 0 : i32
    return %c0_i32, %c0_i32_0, %arg0 : i32, i32, i32
  }
  func.func @transform_2(%arg0: i32) -> (i32, i32, i32) {
    %c1_i32 = arith.constant 1 : i32
    %c0_i32 = arith.constant 0 : i32
    %c0_i32_0 = arith.constant 0 : i32
    return %c1_i32, %c0_i32, %arg0 : i32, i32, i32
  }
  func.func @transform_3(%arg0: i32) -> i32 {
    %c0_i32 = arith.constant 0 : i32
    %c0_i32_0 = arith.constant 0 : i32
    return %c0_i32 : i32
  }
}

</mosaic_0001>

<sc_bundles>
// kernel: kernel.4.cloned.1.call-start
scs
__scs_entry_jumppad:
0x0: {  	(pc) =	sbr.rel $0x88, $3  }
0x1: {  	(tag) =	ssettag $0x0;
	lr =	simm.s32 $0x1  }
0x2: {  	[smem:$0x3F9E] =	sst lr;
	_ =	strace $0xD0000000  }
0x3: {  	_ = 	snop  }
0x4: {  	_ = 	snop  }
0x5: {  	_ = 	snop  }
0x6: {  	_ = 	snop  }
0x7: {  	_ = 	snop  }
__scs_overlays_trampoline_lowered:
0x8: {  	[smem:$0x3FAD] =	sst s0  }
0x9: {  	[smem:$0x3FAE] =	sst s1  }
0xa: {  	[smem:$0x3FAF] =	sst s2  }
0xb: {  	[smem:$0x3FB0] =	sst s3  }
0xc: {  	[smem:$0x3FB1] =	sst s4  }
0xd: {  	[smem:$0x3FB2] =	sst s5  }
0xe: {  	[smem:$0x3FB3] =	sst s6  }
0xf: {  	[smem:$0x3FB4] =	sst s7  }
0x10: {  	[smem:$0x3FB5] =	sst s8  }
0x11: {  	[smem:$0x3FB6] =	sst s9;
	s0 =	simm.s32 @!p0 $0x0  }
0x12: {  	s1 =	sld [smem:$0x3F9C];
	s0 =	simm.s32 @p0 $0x1  }
0x13: {  	[smem:$0x3FB7] =	sst s0;
	s0 =	simm.s32 @!p1 $0x0  }
0x14: {  	s2 =	sld [smem:$0x3F9B];
	s0 =	simm.s32 @p1 $0x1  }
0x15: {  	[smem:$0x3FB8] =	sst s0;
	s0 =	simm.s32 @!p2 $0x0  }
0x16: {  	s3 =	sld [smem:$0x3FDB];
	s0 =	simm.s32 @p2 $0x1  }
0x17: {  	s4 =	simm.s32 $0x1BF5;
	[smem:$0x3FBA] =	sst s0  }
0x18: {  	s0 =	sld [smem:$0x3F9D];
	_ =	swait.ge [sflag:s4], $0x0  }
0x19: {  	s7 =	sld [smem:$0x3F9E]  }
0x1a: {  	s8 =	sadd.s32 $0xFFFFE003, lr  }
0x1b: {  	s9 =	sadd.s32 $0xFFFFFEF7, lr;
	s5 =	simm.s32 $0xFFFFFFFF;
	p2 =	slt.u32 s8, $0xFFFFF086  }
0x1c: {  	p1 =	slt.u32 s9, $0xF7A;
	s5 =	simm.s32 @!p2 $0x0  }
0x1d: {  	s5 =	simm.s32 @p1 $0x1;
	p0 =	seq.s32 s7, s2  }
0x1e: {  	s7 =	smul.u32 @!p0 $0xF7A, s2;
	p2 =	seq.s32 @!p0 s5, $0x0  }
0x1f: {  	s9 =	smul.u32 $0xF7A, s1;
	s8 =	simm.s32 @!p0 $0x1BF5;
	p2 =	por !p2, p0  }
0x20: {  	[sflag:s8] =	ssyncset.s32 @!p0 $0xFFFFF086;
	s6 =	sadd.s32 @!p0 s3, s7;
	s7 =	simm.s32 @!p0 $0x108  }
0x21: {  	s3 =	sadd.s32 s3, s9;
	s6 =	sadd.s32 @!p0 $0x88, s6;
	s7 =	simm.s32 @p2 $0x1082  }
0x22: {  	[simem:s7], [sflag:s8] =	dma.local @!p0 [hbm:s6], $0xF7A  }
0x23: {  	s9 =	sor.u32 $0xD0000000, s2;
	s6 =	simm.s32 $0x108;
	_ =	swait.ge @!p0 [sflag:s8], $0x0  }
0x24: {  	s3 =	sadd.s32 $0x88, s3;
	s6 =	simm.s32 @!p1 $0x1082;
	[sflag:s4] =	ssyncset.s32 $0xFFFFF086  }
0x25: {  	[simem:s6], [sflag:s4] =	dma.local [hbm:s3], $0xF7A  }
0x26: {  	[smem:$0x3F9E] =	sst s1;
	(tag) =	ssettag s2;
	_ =	strace s9  }
0x27: {  	s1 =	sld [smem:$0x3FAE]  }
0x28: {  	s2 =	sld [smem:$0x3FAF]  }
0x29: {  	s4 =	sld [smem:$0x3FB1]  }
0x2a: {  	p0 =	seq.s32 s5, $0x0;
	s5 =	sld [smem:$0x3FB2]  }
0x2b: {  	s6 =	sld [smem:$0x3FB3]  }
0x2c: {  	s7 =	sld [smem:$0x3FB4]  }
0x2d: {  	s3 =	simm.s32 $0x108;
	s8 =	sld [smem:$0x3FB5]  }
0x2e: {  	s3 =	simm.s32 @!p0 $0x1082;
	s9 =	sld [smem:$0x3FB6]  }
0x2f: {  	lr =	sadd.s32 s0, s3;
	s0 =	sld [smem:$0x3FAD]  }
0x30: {  	s3 =	sld [smem:$0x3FB0]  }
0x31: {  	[smem:$0x3FB9] =	sst s10  }
0x32: {  	s10 =	sld [smem:$0x3FB7];
	_ =	sdelay $0x3  }
0x33: {  	p0 =	seq.s32 s10, $0x1;
	s10 =	sld [smem:$0x3FB9];
	_ =	sdelay $0x3  }
0x34: {  	[smem:$0x3FB9] =	sst s10  }
0x35: {  	s10 =	sld [smem:$0x3FB8];
	_ =	sdelay $0x3  }
0x36: {  	p1 =	seq.s32 s10, $0x1;
	s10 =	sld [smem:$0x3FB9];
	_ =	sdelay $0x3  }
0x37: {  	[smem:$0x3FB9] =	sst s10  }
0x38: {  	s10 =	sld [smem:$0x3FBA]  }
0x39: {  	_ = 	snop;
	(pc) =	sbr.ind lr, $3  }
0x3a: {  	_ = 	snop  }
0x3b: {  	_ = 	snop  }
0x3c: {  	p2 =	seq.s32 s10, $0x1;
	s10 =	sld [smem:$0x3FB9]  }
0x3d: {  	_ =	shalt  }
0x3e: {  	_ =	shalt  }
0x3f: {  	_ =	shalt  }
0x40: {  	_ =	shalt  }
0x41: {  	_ =	shalt  }
0x42: {  	_ =	shalt  }
0x43: {  	_ =	shalt  }
0x44: {  	_ =	shalt  }
0x45: {  	_ =	shalt  }
0x46: {  	_ =	shalt  }
0x47: {  	_ =	shalt  }
0x48: {  	_ =	shalt  }
0x49: {  	_ =	shalt  }
0x4a: {  	_ =	shalt  }
0x4b: {  	_ =	shalt  }
0x4c: {  	_ =	shalt  }
0x4d: {  	_ =	shalt  }
0x4e: {  	_ =	shalt  }
0x4f: {  	_ =	shalt  }
0x50: {  	_ =	shalt  }
0x51: {  	_ =	shalt  }
0x52: {  	_ =	shalt  }
0x53: {  	_ =	shalt  }
0x54: {  	_ =	shalt  }
0x55: {  	_ =	shalt  }
0x56: {  	_ =	shalt  }
0x57: {  	_ =	shalt  }
0x58: {  	_ =	shalt  }
0x59: {  	_ =	shalt  }
0x5a: {  	_ =	shalt  }
0x5b: {  	_ =	shalt  }
0x5c: {  	_ =	shalt  }
0x5d: {  	_ =	shalt  }
0x5e: {  	_ =	shalt  }
0x5f: {  	_ =	shalt  }
0x60: {  	_ =	shalt  }
0x61: {  	_ =	shalt  }
0x62: {  	_ =	shalt  }
0x63: {  	_ =	shalt  }
0x64: {  	_ =	shalt  }
0x65: {  	_ =	shalt  }
0x66: {  	_ =	shalt  }
0x67: {  	_ =	shalt  }
0x68: {  	_ =	shalt  }
0x69: {  	_ =	shalt  }
0x6a: {  	_ =	shalt  }
0x6b: {  	_ =	shalt  }
0x6c: {  	_ =	shalt  }
0x6d: {  	_ =	shalt  }
0x6e: {  	_ =	shalt  }
0x6f: {  	_ =	shalt  }
0x70: {  	_ =	shalt  }
0x71: {  	_ =	shalt  }
0x72: {  	_ =	shalt  }
0x73: {  	_ =	shalt  }
0x74: {  	_ =	shalt  }
0x75: {  	_ =	shalt  }
0x76: {  	_ =	shalt  }
0x77: {  	_ =	shalt  }
0x78: {  	_ =	shalt  }
0x79: {  	_ =	shalt  }
0x7a: {  	_ =	shalt  }
0x7b: {  	_ =	shalt  }
0x7c: {  	_ =	shalt  }
0x7d: {  	_ =	shalt  }
0x7e: {  	_ =	shalt  }
0x7f: {  	_ =	shalt  }
0x80: {  	_ =	shalt  }
0x81: {  	_ =	shalt  }
0x82: {  	_ =	shalt  }
0x83: {  	_ =	shalt  }
0x84: {  	_ =	shalt  }
0x85: {  	_ =	shalt  }
0x86: {  	_ =	shalt  }
0x87: {  	_ =	shalt  }
.Lfunc_end0:
.L_simem_size_0:
called_computation_lowered:
.L_overlay_start_0:
0x88: {  	s2 =	sld [smem:$0x3FD9]  }
0x89: {  	s3 =	sld [smem:$0x3FFE];
	_ =	sdelay $0x1  }
0x8a: {  	s1 =	srdreg.scid  }
0x8b: {  	s0 =	sand.u32 $0x1, s1  }
0x8c: {  	s17 =	sshll.u32 s0, $0xA;
	s2 =	sadd.s32 s3, s2  }
0x8d: {  	s2 =	sadd.s32 s2, s17  }
0x8e: {  	[smem:$0x3FC5] =	sst s2  }
0x8f: {  	_ = 	snop  }
0x90: {  	s2 =	sld [smem:$0x3FC7]  }
0x91: {  	s18 =	sld [smem:$0x3FD0];
	(tm) =	ssettm $0x1  }
0x92: {  	s4 =	sld [smem:$0x3FFB];
	_ =	sdelay $0x3  }
0x93: {  	_ =	strace s4  }
0x94: {  	s4 =	sld [smem:$0x3FFC];
	_ =	sdelay $0x3  }
0x95: {  	_ =	strace s4  }
0x96: {  	s4 =	sld [smem:$0x3FFD];
	_ =	sdelay $0x3  }
0x97: {  	_ =	strace s4  }
0x98: {  	_ =	strace $0x8FFFFFFF  }
0x99: {  	s19 =	sld [smem:$0x3FDB];
	_ =	sdelay $0x1  }
0x9a: {  	s5 =	simm.s32 $_scs_section_size  }
0x9b: {  	s6 =	simm.s32 $_size__tile_overlayer_lowered;
	s7 =	simm.s32 $_tile_overlayer_lowered  }
0x9c: {  	s22 =	simm.s32 $0x1BFF;
	s21 =	sshll.u32 s7, $0x1;
	s4 =	sadd.s32 s5, s19  }
0x9d: {  	s8 =	simm.s32 $0x0;
	s20 =	sshll.u32 s6, $0x1;
	s6 =	sadd.s32 s21, s4  }
0x9e: {  	[timem:s8], [sflag:s22] =	dma.local [hbm:s6], s20  }
0x9f: {  	_ =	swait.ge [sflag:s22], s20  }
0xa0: {  	s5 =	ssub.s32 $0x0, s20;
	[sflag:s22] =	ssyncset.done $0x0  }
0xa1: {  	[sflag:s22] =	ssyncadd.s32 s5;
	_ =	sdelay $0x1  }
0xa2: {  	s23 =	simm.s32 $0x1B8B  }
0xa3: {  	_ =	swait.ge [sflag:s23], $0x1  }
0xa4: {  	[sflag:s23] =	ssyncset.done $0x0  }
0xa5: {  	s25 =	simm.s32 $0x1B8E;
	s24 =	sld [smem:$0x3FFE];
	[sflag:s23] =	ssyncadd.s32 $0xFFFFFFFF  }
0xa6: {  	s26 =	simm.s32 $execute0_lowered;
	[smem:$0x3FD2] =	sst s25  }
0xa7: {  	s6 =	sshll.u32 s26, $0x1;
	_ =	strace $0x80000046;
	[dreg:$0x1] =	wrdreg $0xFFFFFFFF  }
0xa8: {  	s28 =	simm.s32 $_size_execute0_lowered;
	s4 =	sadd.s32 s4, s6;
	[dreg:$0x0] =	wrdreg $0x0  }
0xa9: {  	s6 =	sshll.u32 s28, $0x1;
	[dreg:$0x2] =	wrdreg s4  }
0xaa: {  	[dreg:$0x3] =	wrdreg s6  }
0xab: {  	[dreg:$0x4] =	wrdreg $0xC0  }
0xac: {  	_ =	task [dreg:s8], $0x5FFFF  }
0xad: {  	[dreg:$0x1] =	wrdreg $0xFFFFFFFF  }
0xae: {  	[dreg:$0x0] =	wrdreg $0x60  }
0xaf: {  	[dreg:$0x2] =	wrdreg s2  }
0xb0: {  	[dreg:$0x3] =	wrdreg s24  }
0xb1: {  	[dreg:$0x4] =	wrdreg s18  }
0xb2: {  	[dreg:$0x5] =	wrdreg $0x9  }
0xb3: {  	_ =	task.clear_ibuf [dreg:s8], $0x6FFFF;
	_ =	strace $0x90000046  }
0xb4: {  	s29 =	simm.s32 $0x9;
	_ =	strace $0x80000048  }
0xb5: {  	_ =	swait.ge [sflag:s29], $0x1  }
0xb6: {  	[sflag:s29] =	ssyncadd.s32 $0xFFFFFFFF  }
0xb7: {  	_ =	strace $0x90000048  }
0xb8: {  	_ =	sfence  }
0xb9: {  	s30 =	sld [smem:$0x0];
	_ =	sdelay $0x2  }
0xba: {  	s31 =	sshll.u32 s1, $0xD;
	s1 =	sshrl.u32 s1, $0x2  }
0xbb: {  	s3 =	sand.u32 $0x4000, s31;
	s1 =	sadd.s32 s1, s30  }
0xbc: {  	s0 =	sor.u32 s3, s0;
	s1 =	sshll.u32 s1, $0x11  }
0xbd: {  	s0 =	sor.u32 s1, s0  }
0xbe: {  	s0 =	sadd.s32 $0x8F2B, s0  }
0xbf: {  	[sflag:s0] =	ssyncadd.remote.s32 $0x1  }
0xc0: {  	_ =	sfence.sel $0xFFFF  }
0xc1: {  	[dreg:$0x0] =	wrdreg $0xFFFFFFFF;
	(pc) =	sbr.abs _section_cstart, $3  }
0xc2: {  	[dreg:$0x1] =	wrdreg $0xFFFFFFFF  }
0xc3: {  	_ =	task.clear_ibuf [dreg:s8], $0x2FFFF;
	_ =	strace $0x9FFFFFFF  }
0xc4: {  	(tm) =	ssettm $0x7FFFFFFF  }
0xc5: {  	_ =	shalt  }
tec
execute0_lowered:
.L_overlay_start_1:
0x0: {  	(tag) =	ssettag $0x1  }
0x1: {  	s1 =	stileid.u32  }
0x2: {  	p0 =	sgt.u32 s1, $0x7  }
.Ltmp0:
0x3: {  	s2 =	rddreg [dreg:$0x0];
	(pc) =	sbr.rel @p0 .LBB2_4-.Ltmp0, $4  }
0x4: {  	s4 =	rddreg [dreg:$0x1]  }
0x5: {  	s22 =	rddreg [dreg:$0x2];
	s3 =	simm.s32 $0x0  }
0x6: {  	[smem:$0x7FF] =	sst s3  }
0x7: {  	s0 =	rddreg [dreg:$0x3];
	_ =	strace $0x80000047  }
0x8: {  	s5 =	srdreg.scid  }
0x9: {  	s30 =	sshll.u32 s1, $0x1;
	s20 =	sand.u32 $0x1, s5  }
0xa: {  	s4 =	sadd.s32 $0x800, s4;
	s23 =	sor.u32 s20, s30  }
0xb: {  	s5 =	sadd.s32 s4, s23;
	s4 =	simm.s32 $0x2  }
0xc: {  	[tilespmem:s3], [sflag:$0x2] =	stream.linear.gather [hbm4b:s5+s3], $0x8, $0x38;
	[tilespmem:$0x4080] =	vst v63  }
0xd: {  	_ =	swait.ge [sflag:s4], $0x8  }
0xe: {  	[sflag:s4] =	ssyncset.done $0x0  }
0xf: {  	[sflag:s4] =	ssyncadd.s32 $0xFFFFFFF8  }
0x10: {  	v0 =	vld.msk [tilespmem:$0x0], $0xff;
	_ =	sdelay $0x4  }
0x11: {  	v1 =	vshll.u32 v0, $0x4  }
0x12: {  	v2 =	vlaneseq.u32;
	v3 =	vand.u32 $0x7, v0;
	v1 =	vand.u32 $0xFFFFFF80, v1  }
0x13: {  	v0 =	vand.u32 $0x7, v2;
	v2 =	vshrl.u32 v2, $0x3;
	v3 =	vor.u32 v3, v1  }
0x14: {  	v1 =	vmul.u32 $0x8, v2;
	v2 =	vperm.xlane v3, v0;
	_ =	sdelay $0x1  }
0x15: {  	v2 =	vadd.s32 v1, v2;
	_ =	sdelay $0x3  }
0x16: {  	vm0 =	vmmov $0xffff;
	s6 =	simm.s32 $0x80  }
0x17: {  	[tilespmem:s6], [sflag:$0x1] =	stream.indirect_vreg.gather [hbm4b:s2+s3], $0x80, v2, vm0, $0xb8;
	[tilespmem:$0x4080] =	vst v63  }
0x18: {  	s7 =	sadd.s32 $0x100, s2;
	s8 =	simm.s32 $0x880  }
0x19: {  	[tilespmem:s8], [sflag:$0x1] =	stream.indirect_vreg.gather [hbm4b:s7+s3], $0x80, v2, vm0, $0xb8;
	[tilespmem:$0x4080] =	vst v63  }
0x1a: {  	s9 =	sadd.s32 $0x200, s2;
	s10 =	simm.s32 $0x1080  }
0x1b: {  	[tilespmem:s10], [sflag:$0x1] =	stream.indirect_vreg.gather [hbm4b:s9+s3], $0x80, v2, vm0, $0xb8;
	[tilespmem:$0x4080] =	vst v63  }
0x1c: {  	s11 =	sadd.s32 $0x300, s2;
	s12 =	simm.s32 $0x1880;
	s13 =	sadd.s32 $0x400, s2  }
0x1d: {  	[tilespmem:s12], [sflag:$0x1] =	stream.indirect_vreg.gather [hbm4b:s11+s3], $0x80, v2, vm0, $0xb8;
	[tilespmem:$0x4080] =	vst v63  }
0x1e: {  	s14 =	simm.s32 $0x2080;
	s15 =	sadd.s32 $0x500, s2;
	s24 =	ssub.s32 $0x2, s20  }
0x1f: {  	[tilespmem:s14], [sflag:$0x1] =	stream.indirect_vreg.gather [hbm4b:s13+s3], $0x80, v2, vm0, $0xb8;
	[tilespmem:$0x4080] =	vst v63  }
0x20: {  	s16 =	simm.s32 $0x2880;
	s17 =	sadd.s32 $0x600, s2;
	s25 =	sshrl.u32 s24, $0x1  }
0x21: {  	[tilespmem:s16], [sflag:$0x1] =	stream.indirect_vreg.gather [hbm4b:s15+s3], $0x80, v2, vm0, $0xb8;
	[tilespmem:$0x4080] =	vst v63  }
0x22: {  	s18 =	sadd.s32 $0x700, s2;
	s19 =	simm.s32 $0x3080;
	s24 =	ssub.s32 s24, s25  }
0x23: {  	[tilespmem:s19], [sflag:$0x1] =	stream.indirect_vreg.gather [hbm4b:s17+s3], $0x80, v2, vm0, $0xb8;
	[tilespmem:$0x4080] =	vst v63  }
0x24: {  	s21 =	simm.s32 $0x1;
	s20 =	simm.s32 $0x3880;
	s31 =	smax.u32 s24, $0x1  }
0x25: {  	[tilespmem:s20], [sflag:$0x1] =	stream.indirect_vreg.gather [hbm4b:s18+s3], $0x80, v2, vm0, $0xb8;
	[tilespmem:$0x4080] =	vst v63  }
0x26: {  	p0 =	sne.s32 s31, $0x1;
	_ =	swait.ge [sflag:s21], $0x4000  }
.Ltmp1:
0x27: {  	s23 =	sshll.u32 s23, $0xB;
	[sflag:s21] =	ssyncset.done $0x0;
	(pc) =	sbr.rel @!p0 .LBB2_3-.Ltmp1, $4  }
0x28: {  	s22 =	sadd.s32 s22, s23;
	[sflag:s21] =	ssyncadd.s32 $0xFFFFC000  }
0x29: {  	[hbm4b:s22+s3] =	stream.linear.scatter [tilespmem:s6], [sflag:$0x2], $0x4000, $0x38;
	[tilespmem:$0x4080] =	vst v63  }
0x2a: {  	_ =	swait.ge [sflag:s4], $0x4000  }
0x2b: {  	s23 =	sadd.s32 $0xFFFFFFFF, s31;
	[sflag:s4] =	ssyncset.done $0x0  }
.LBB2_2:
0x2c: {  	p0 =	sne.s32 s23, $0x1;
	s23 =	sadd.s32 $0xFFFFFFFF, s23;
	[sflag:s4] =	ssyncadd.s32 $0xFFFFC000  }
0x2d: {  	[tilespmem:s3], [sflag:$0x2] =	stream.linear.gather [hbm4b:s5+s3], $0x8, $0x38;
	[tilespmem:$0x4080] =	vst v63  }
0x2e: {  	_ =	swait.ge [sflag:s4], $0x8  }
0x2f: {  	[sflag:s4] =	ssyncset.done $0x0  }
0x30: {  	[sflag:s4] =	ssyncadd.s32 $0xFFFFFFF8  }
0x31: {  	v2 =	vld.msk [tilespmem:$0x0], $0xff;
	_ =	sdelay $0x4  }
0x32: {  	v3 =	vshll.u32 v2, $0x4  }
0x33: {  	v2 =	vand.u32 $0x7, v2;
	v3 =	vand.u32 $0xFFFFFF80, v3  }
0x34: {  	v2 =	vor.u32 v2, v3  }
0x35: {  	v2 =	vperm.xlane v2, v0;
	_ =	sdelay $0x1  }
0x36: {  	v2 =	vadd.s32 v1, v2;
	_ =	sdelay $0x4  }
0x37: {  	[tilespmem:s6], [sflag:$0x1] =	stream.indirect_vreg.gather [hbm4b:s2+s3], $0x80, v2, vm0, $0xb8;
	[tilespmem:$0x4080] =	vst v63  }
0x38: {  	_ = 	snop  }
0x39: {  	[tilespmem:s8], [sflag:$0x1] =	stream.indirect_vreg.gather [hbm4b:s7+s3], $0x80, v2, vm0, $0xb8;
	[tilespmem:$0x4080] =	vst v63  }
0x3a: {  	_ = 	snop  }
0x3b: {  	[tilespmem:s10], [sflag:$0x1] =	stream.indirect_vreg.gather [hbm4b:s9+s3], $0x80, v2, vm0, $0xb8;
	[tilespmem:$0x4080] =	vst v63  }
0x3c: {  	_ = 	snop  }
0x3d: {  	[tilespmem:s12], [sflag:$0x1] =	stream.indirect_vreg.gather [hbm4b:s11+s3], $0x80, v2, vm0, $0xb8;
	[tilespmem:$0x4080] =	vst v63  }
0x3e: {  	_ = 	snop  }
0x3f: {  	[tilespmem:s14], [sflag:$0x1] =	stream.indirect_vreg.gather [hbm4b:s13+s3], $0x80, v2, vm0, $0xb8;
	[tilespmem:$0x4080] =	vst v63  }
0x40: {  	_ = 	snop  }
0x41: {  	[tilespmem:s16], [sflag:$0x1] =	stream.indirect_vreg.gather [hbm4b:s15+s3], $0x80, v2, vm0, $0xb8;
	[tilespmem:$0x4080] =	vst v63  }
0x42: {  	_ = 	snop  }
0x43: {  	[tilespmem:s19], [sflag:$0x1] =	stream.indirect_vreg.gather [hbm4b:s17+s3], $0x80, v2, vm0, $0xb8;
	[tilespmem:$0x4080] =	vst v63  }
0x44: {  	_ = 	snop  }
0x45: {  	[tilespmem:s20], [sflag:$0x1] =	stream.indirect_vreg.gather [hbm4b:s18+s3], $0x80, v2, vm0, $0xb8;
	[tilespmem:$0x4080] =	vst v63  }
0x46: {  	_ =	swait.ge [sflag:s21], $0x4000  }
.Ltmp2:
0x47: {  	[sflag:s21] =	ssyncset.done $0x0;
	(pc) =	sbr.rel @p0 .LBB2_2-.Ltmp2, $4  }
0x48: {  	[sflag:s21] =	ssyncadd.s32 $0xFFFFC000  }
0x49: {  	[hbm4b:s22+s3] =	stream.linear.scatter [tilespmem:s6], [sflag:$0x2], $0x4000, $0x38;
	[tilespmem:$0x4080] =	vst v63  }
0x4a: {  	_ =	swait.ge [sflag:s4], $0x4000  }
0x4b: {  	[sflag:s4] =	ssyncset.done $0x0  }
.LBB2_3:
0x4c: {  	[sflag:s4] =	ssyncadd.s32 $0xFFFFC000  }
.LBB2_4:
0x4d: {  	_ =	sfence.sel $0x180000  }
0x4e: {  	[bflag:$0x0] =	sbarrier.arrive $0xFFFF  }
0x4f: {  	p0 =	sne.s32 s1, $0x0;
	_ =	strace $0x90000047  }
0x50: {  	s0 =	sadd.s32 @!p0 $0x100000, s0;
	[bflag:$0x2] =	sbarrier.arrive $0xFFFF  }
0x51: {  	[sflag:s0] =	ssyncadd.tile.s32 @!p0 $0x1;
	_ =	shalt  }
.Lfunc_end2:
_tile_overlayer_lowered:
.L_overlay_start_2:
0x52: {  	(tag) =	ssettag $0x2  }
0x53: {  	s0 =	rddreg [dreg:$0x0];
	s2 =	stileid.u32  }
0x54: {  	s1 =	rddreg [dreg:$0x1];
	p0 =	sne.s32 s2, $0x0  }
0x55: {  	s3 =	rddreg [dreg:$0x2];
	[bflag:$0x3] =	sbarrier.arrive $0xFFFF;
	s2 =	simm.s32 @!p0 $0x1C02  }
0x56: {  	[timem:s3], [sflag:s2] =	dma.local @!p0 [hbm:s0], s1  }
0x57: {  	s0 =	simm.s32 @!p0 $0x2  }
0x58: {  	_ =	swait.ge @!p0 [sflag:s0], s1  }
0x59: {  	s1 =	ssub.s32 @!p0 $0x0, s1;
	[sflag:s0] =	ssyncset.done @!p0 $0x0  }
0x5a: {  	[sflag:s0] =	ssyncadd.s32 @!p0 s1  }
0x5b: {  	[bflag:$0x3] =	sbarrier.arrive $0xFFFF  }
0x5c: {  	_ =	shalt  }

</sc_bundles>
